<compile_context>
chip_gen: v7x
topology: tpu7x:2x2x1
jax: 0.10.2.dev20260603
libtpu: 0.0.44.dev20260713+nightly
codegen_flags: <defaults>
</compile_context>

<pallas_src>
import functools

import jax
import jax.numpy as jnp
from jax import lax
from jax.experimental import pallas as pl
from jax.experimental.pallas import tpu as pltpu
from jax.experimental.pallas import tpu_sc as plsc

_LANES = 16
_ROW = 128
_CHUNK = 128
_NBUF = 2


@functools.lru_cache(maxsize=None)
def _make_sc_permute(n_rows: int):
    info = plsc.get_sparse_core_info()
    nc, ns = info.num_cores, info.num_subcores
    nw = nc * ns
    rows_per_w = n_rows // nw
    assert rows_per_w * nw == n_rows, (n_rows, nw)
    nch = rows_per_w // _CHUNK
    assert nch * _CHUNK == rows_per_w and nch % _NBUF == 0, nch
    assert nch // _NBUF >= 3, nch
    ngrp = _ROW // _LANES

    mesh = plsc.VectorSubcoreMesh(core_axis_name="c", subcore_axis_name="s")

    @functools.partial(
        pl.kernel,
        mesh=mesh,
        out_type=jax.ShapeDtypeStruct((n_rows, _ROW), jnp.float32),
        compiler_params=pltpu.CompilerParams(needs_layout_passes=False),
        scratch_types=(
            [pltpu.VMEM((_ROW,), jnp.int32)]
            + [pltpu.VMEM((_CHUNK, _ROW), jnp.float32)] * (2 * _NBUF)
            + [pltpu.SemaphoreType.DMA] * (2 * _NBUF)
        ),
    )
    def permute_kernel(x_hbm, perm_hbm, out_hbm, perm_v, *bufs_and_sems):
        inb = bufs_and_sems[:_NBUF]
        outb = bufs_and_sems[_NBUF:2 * _NBUF]
        isem = bufs_and_sems[2 * _NBUF:3 * _NBUF]
        osem = bufs_and_sems[3 * _NBUF:4 * _NBUF]

        wid = lax.axis_index("s") * nc + lax.axis_index("c")
        base = wid * rows_per_w

        pltpu.sync_copy(perm_hbm, perm_v)
        pvecs = [perm_v[pl.ds(g * _LANES, _LANES)] for g in range(ngrp)]

        def start_in(c, b):
            pltpu.async_copy(
                x_hbm.at[pl.ds(base + c * _CHUNK, _CHUNK), :], inb[b], isem[b])

        def wait_in(b):
            pltpu.make_async_copy(
                x_hbm.at[pl.ds(base, _CHUNK), :], inb[b], isem[b]).wait()

        def start_out(c, b):
            pltpu.async_copy(
                inb[b], out_hbm.at[pl.ds(base + c * _CHUNK, _CHUNK), :], osem[b])

        def wait_out(b):
            pltpu.make_async_copy(
                inb[b], out_hbm.at[pl.ds(base, _CHUNK), :], osem[b]).wait()

        def compute(b):
            src = inb[b]
            dst = outb[b]

            @plsc.parallel_loop(0, _CHUNK, 1, unroll=2)
            def row_body(r):
                ridx = jnp.full((_LANES,), r, jnp.int32)
                for g in range(ngrp):
                    dst[r, pl.ds(g * _LANES, _LANES)] = (
                        plsc.load_gather(src, [ridx, pvecs[g]]))

        for b in range(_NBUF):
            start_in(b, b)
        for b in range(_NBUF):
            wait_in(b)
            start_out(b, b)
            start_in(b + _NBUF, b)

        def round_body(p, carry):
            c0 = p * _NBUF
            for b in range(_NBUF):
                wait_in(b)
                wait_out(b)
                start_out(c0 + b, b)
                start_in(c0 + b + _NBUF, b)
            return carry
        lax.fori_loop(1, nch // _NBUF - 1, round_body, 0)

        for b in range(_NBUF):
            wait_in(b)
            wait_out(b)
            start_out(nch - _NBUF + b, b)
        for b in range(_NBUF):
            wait_out(b)

    return permute_kernel


def kernel(input, permutation):
    n_batch, seq, row = input.shape
    assert row == _ROW
    xt = jnp.transpose(input, (1, 0, 2)).reshape(seq * n_batch, row)
    out2 = _make_sc_permute(seq * n_batch)(xt, permutation)
    return jnp.transpose(out2.reshape(seq, n_batch, row), (1, 0, 2))

# --- scband reference (transcript-rebuilt; emitter-appended) ---
"""Pipeline reference for scband-fixed-permutation-69904887710191 (READ-ONLY COPY).

The authoritative reference and input builder live on the scoring server;
editing this copy changes nothing except your own understanding.
"""

import jax, jax.numpy as jnp
import numpy as np


def setup_inputs(seed: int = 0) -> dict:
    key = jax.random.key(seed)
    x = jax.random.normal(key, (4096, 50, 128), dtype=jnp.float32)
    # Fixed permutation buffer of size 128 (reversal permutation, matches init_kwargs)
    permutation = jnp.arange(127, -1, -1, dtype=jnp.int32)
    return {"input": x, "permutation": permutation}


def reference(input, permutation):
    # index_last_dim(input, permutation): output[..., i] = input[..., permutation[i]]
    return jnp.take(input, permutation, axis=-1)

if __name__ == "__main__":
    import jax
    _d = setup_inputs()
    print(jax.jit(kernel)(*tuple(_d.values())))

</pallas_src>

<mosaic_0001>
#map = affine_map<(d0, d1) -> (0, 0)>
#map1 = affine_map<(d0, d1) -> (0)>
module attributes {stable_mosaic.version = 14 : i64} {
  func.func @permute_kernel(%arg0: i32, %arg1: i32, %arg2: memref<204800x128xf32, #tpu.memory_space<hbm>>, %arg3: memref<128xi32, #tpu.memory_space<hbm>>, %arg4: memref<204800x128xf32, #tpu.memory_space<hbm>>, %arg5: memref<128xi32, #tpu.memory_space<vmem>>, %arg6: memref<128x128xf32, #tpu.memory_space<vmem>>, %arg7: memref<128x128xf32, #tpu.memory_space<vmem>>, %arg8: memref<128x128xf32, #tpu.memory_space<vmem>>, %arg9: memref<128x128xf32, #tpu.memory_space<vmem>>, %arg10: memref<!tpu.dma_semaphore, #tpu.memory_space<semaphore_mem>>, %arg11: memref<!tpu.dma_semaphore, #tpu.memory_space<semaphore_mem>>, %arg12: memref<!tpu.dma_semaphore, #tpu.memory_space<semaphore_mem>>, %arg13: memref<!tpu.dma_semaphore, #tpu.memory_space<semaphore_mem>>) attributes {dimension_semantics = [#tpu.dimension_semantics<core_parallel>, #tpu.dimension_semantics<subcore_parallel>], iteration_bounds = array<i64: 2, 16>, scalar_prefetch = 0 : i64, scratch_operands = 9 : i64, tpu.core_type = #tpu.core_type<sc_vector_subcore>, window_params = [{transform_indices = #map}, {transform_indices = #map1}, {transform_indices = #map}]} {
    %mul3A = arith.constant 2 : i32
    %mul3A_0 = arith.muli %arg1, %mul3A : i32
    %add3A = arith.addi %mul3A_0, %arg0 : i32
    %mul3A_1 = arith.constant 6400 : i32
    %mul3A_2 = arith.muli %add3A, %mul3A_1 : i32
    "tpu.region"() ({
      %run_scoped3A = tpu.sem_alloc : memref<!tpu.dma_semaphore, #tpu.memory_space<semaphore_mem>>
      tpu.enqueue_dma source(%arg3 : memref<128xi32, #tpu.memory_space<hbm>>) target(%arg5 : memref<128xi32, #tpu.memory_space<vmem>>) target_semaphore(%run_scoped3A : memref<!tpu.dma_semaphore, #tpu.memory_space<semaphore_mem>>)
      tpu.wait_dma2 semaphore(%run_scoped3A : memref<!tpu.dma_semaphore, #tpu.memory_space<semaphore_mem>>) src(%arg3 : memref<128xi32, #tpu.memory_space<hbm>>) dst(%arg5 : memref<128xi32, #tpu.memory_space<vmem>>)
      tpu.yield
    }) : () -> ()
    %get3A = arith.constant 0 : index
    %get3A_3 = tpu.vector_load %arg5[%get3A] {strides = array<i32>} : memref<128xi32, #tpu.memory_space<vmem>>, vector<16xi32>,
    %get3A_4 = arith.constant 16 : index
    %get3A_5 = tpu.vector_load %arg5[%get3A_4] {strides = array<i32>} : memref<128xi32, #tpu.memory_space<vmem>>, vector<16xi32>,
    %get3A_6 = arith.constant 32 : index
    %get3A_7 = tpu.vector_load %arg5[%get3A_6] {strides = array<i32>} : memref<128xi32, #tpu.memory_space<vmem>>, vector<16xi32>,
    %get3A_8 = arith.constant 48 : index
    %get3A_9 = tpu.vector_load %arg5[%get3A_8] {strides = array<i32>} : memref<128xi32, #tpu.memory_space<vmem>>, vector<16xi32>,
    %get3A_10 = arith.constant 64 : index
    %get3A_11 = tpu.vector_load %arg5[%get3A_10] {strides = array<i32>} : memref<128xi32, #tpu.memory_space<vmem>>, vector<16xi32>,
    %get3A_12 = arith.constant 80 : index
    %get3A_13 = tpu.vector_load %arg5[%get3A_12] {strides = array<i32>} : memref<128xi32, #tpu.memory_space<vmem>>, vector<16xi32>,
    %get3A_14 = arith.constant 96 : index
    %get3A_15 = tpu.vector_load %arg5[%get3A_14] {strides = array<i32>} : memref<128xi32, #tpu.memory_space<vmem>>, vector<16xi32>,
    %get3A_16 = arith.constant 112 : index
    %get3A_17 = tpu.vector_load %arg5[%get3A_16] {strides = array<i32>} : memref<128xi32, #tpu.memory_space<vmem>>, vector<16xi32>,
    %add3A_18 = arith.constant 0 : i32
    %add3A_19 = arith.addi %mul3A_2, %add3A_18 : i32
    %dma_start3A = arith.constant 0 : i32
    %dma_start3A_20 = tpu.memref_slice %arg2[%add3A_19, %dma_start3A] : memref<204800x128xf32, #tpu.memory_space<hbm>> -> memref<128x128xf32, #tpu.memory_space<hbm>>
    %dma_start3A_21 = arith.constant 0 : i32
    %dma_start3A_22 = tpu.memref_slice %arg2[%add3A_19, %dma_start3A_21] : memref<204800x128xf32, #tpu.memory_space<hbm>> -> memref<128x128xf32, #tpu.memory_space<hbm>>
    tpu.enqueue_dma source(%dma_start3A_22 : memref<128x128xf32, #tpu.memory_space<hbm>>) target(%arg6 : memref<128x128xf32, #tpu.memory_space<vmem>>) target_semaphore(%arg10 : memref<!tpu.dma_semaphore, #tpu.memory_space<semaphore_mem>>)
    %add3A_23 = arith.constant 128 : i32
    %add3A_24 = arith.addi %mul3A_2, %add3A_23 : i32
    %dma_start3A_25 = arith.constant 0 : i32
    %dma_start3A_26 = tpu.memref_slice %arg2[%add3A_24, %dma_start3A_25] : memref<204800x128xf32, #tpu.memory_space<hbm>> -> memref<128x128xf32, #tpu.memory_space<hbm>>
    %dma_start3A_27 = arith.constant 0 : i32
    %dma_start3A_28 = tpu.memref_slice %arg2[%add3A_24, %dma_start3A_27] : memref<204800x128xf32, #tpu.memory_space<hbm>> -> memref<128x128xf32, #tpu.memory_space<hbm>>
    tpu.enqueue_dma source(%dma_start3A_28 : memref<128x128xf32, #tpu.memory_space<hbm>>) target(%arg7 : memref<128x128xf32, #tpu.memory_space<vmem>>) target_semaphore(%arg11 : memref<!tpu.dma_semaphore, #tpu.memory_space<semaphore_mem>>)
    %dma_wait3A = arith.constant 0 : i32
    %dma_wait3A_29 = tpu.memref_slice %arg2[%mul3A_2, %dma_wait3A] : memref<204800x128xf32, #tpu.memory_space<hbm>> -> memref<128x128xf32, #tpu.memory_space<hbm>>
    %dma_wait3A_30 = arith.constant 0 : i32
    %dma_wait3A_31 = tpu.memref_slice %arg2[%mul3A_2, %dma_wait3A_30] : memref<204800x128xf32, #tpu.memory_space<hbm>> -> memref<128x128xf32, #tpu.memory_space<hbm>>
    tpu.wait_dma2 semaphore(%arg10 : memref<!tpu.dma_semaphore, #tpu.memory_space<semaphore_mem>>) src(%dma_wait3A_31 : memref<128x128xf32, #tpu.memory_space<hbm>>) dst(%arg6 : memref<128x128xf32, #tpu.memory_space<vmem>>)
    %add3A_32 = arith.constant 0 : i32
    %add3A_33 = arith.addi %mul3A_2, %add3A_32 : i32
    %dma_start3A_34 = arith.constant 0 : i32
    %dma_start3A_35 = tpu.memref_slice %arg4[%add3A_33, %dma_start3A_34] : memref<204800x128xf32, #tpu.memory_space<hbm>> -> memref<128x128xf32, #tpu.memory_space<hbm>>
    %dma_start3A_36 = arith.constant 0 : i32
    %dma_start3A_37 = tpu.memref_slice %arg4[%add3A_33, %dma_start3A_36] : memref<204800x128xf32, #tpu.memory_space<hbm>> -> memref<128x128xf32, #tpu.memory_space<hbm>>
    tpu.enqueue_dma source(%arg6 : memref<128x128xf32, #tpu.memory_space<vmem>>) target(%dma_start3A_37 : memref<128x128xf32, #tpu.memory_space<hbm>>) target_semaphore(%arg12 : memref<!tpu.dma_semaphore, #tpu.memory_space<semaphore_mem>>)
    %add3A_38 = arith.constant 256 : i32
    %add3A_39 = arith.addi %mul3A_2, %add3A_38 : i32
    %dma_start3A_40 = arith.constant 0 : i32
    %dma_start3A_41 = tpu.memref_slice %arg2[%add3A_39, %dma_start3A_40] : memref<204800x128xf32, #tpu.memory_space<hbm>> -> memref<128x128xf32, #tpu.memory_space<hbm>>
    %dma_start3A_42 = arith.constant 0 : i32
    %dma_start3A_43 = tpu.memref_slice %arg2[%add3A_39, %dma_start3A_42] : memref<204800x128xf32, #tpu.memory_space<hbm>> -> memref<128x128xf32, #tpu.memory_space<hbm>>
    tpu.enqueue_dma source(%dma_start3A_43 : memref<128x128xf32, #tpu.memory_space<hbm>>) target(%arg6 : memref<128x128xf32, #tpu.memory_space<vmem>>) target_semaphore(%arg10 : memref<!tpu.dma_semaphore, #tpu.memory_space<semaphore_mem>>)
    %dma_wait3A_44 = arith.constant 0 : i32
    %dma_wait3A_45 = tpu.memref_slice %arg2[%mul3A_2, %dma_wait3A_44] : memref<204800x128xf32, #tpu.memory_space<hbm>> -> memref<128x128xf32, #tpu.memory_space<hbm>>
    %dma_wait3A_46 = arith.constant 0 : i32
    %dma_wait3A_47 = tpu.memref_slice %arg2[%mul3A_2, %dma_wait3A_46] : memref<204800x128xf32, #tpu.memory_space<hbm>> -> memref<128x128xf32, #tpu.memory_space<hbm>>
    tpu.wait_dma2 semaphore(%arg11 : memref<!tpu.dma_semaphore, #tpu.memory_space<semaphore_mem>>) src(%dma_wait3A_47 : memref<128x128xf32, #tpu.memory_space<hbm>>) dst(%arg7 : memref<128x128xf32, #tpu.memory_space<vmem>>)
    %add3A_48 = arith.constant 128 : i32
    %add3A_49 = arith.addi %mul3A_2, %add3A_48 : i32
    %dma_start3A_50 = arith.constant 0 : i32
    %dma_start3A_51 = tpu.memref_slice %arg4[%add3A_49, %dma_start3A_50] : memref<204800x128xf32, #tpu.memory_space<hbm>> -> memref<128x128xf32, #tpu.memory_space<hbm>>
    %dma_start3A_52 = arith.constant 0 : i32
    %dma_start3A_53 = tpu.memref_slice %arg4[%add3A_49, %dma_start3A_52] : memref<204800x128xf32, #tpu.memory_space<hbm>> -> memref<128x128xf32, #tpu.memory_space<hbm>>
    tpu.enqueue_dma source(%arg7 : memref<128x128xf32, #tpu.memory_space<vmem>>) target(%dma_start3A_53 : memref<128x128xf32, #tpu.memory_space<hbm>>) target_semaphore(%arg13 : memref<!tpu.dma_semaphore, #tpu.memory_space<semaphore_mem>>)
    %add3A_54 = arith.constant 384 : i32
    %add3A_55 = arith.addi %mul3A_2, %add3A_54 : i32
    %dma_start3A_56 = arith.constant 0 : i32
    %dma_start3A_57 = tpu.memref_slice %arg2[%add3A_55, %dma_start3A_56] : memref<204800x128xf32, #tpu.memory_space<hbm>> -> memref<128x128xf32, #tpu.memory_space<hbm>>
    %dma_start3A_58 = arith.constant 0 : i32
    %dma_start3A_59 = tpu.memref_slice %arg2[%add3A_55, %dma_start3A_58] : memref<204800x128xf32, #tpu.memory_space<hbm>> -> memref<128x128xf32, #tpu.memory_space<hbm>>
    tpu.enqueue_dma source(%dma_start3A_59 : memref<128x128xf32, #tpu.memory_space<hbm>>) target(%arg7 : memref<128x128xf32, #tpu.memory_space<vmem>>) target_semaphore(%arg11 : memref<!tpu.dma_semaphore, #tpu.memory_space<semaphore_mem>>)
    %scan3A = arith.constant 0 : i32
    %scan3A_60 = arith.constant 1 : i32
    %scan3A_61 = arith.constant 23 : i32
    %scan3A_62 = arith.addi %scan3A_60, %scan3A_61 : i32
    %scan3A_63 = arith.constant 1 : i32
    scf.for %scan3A_101 = %scan3A_60 to %scan3A_62 step %scan3A_63  : i32 {
      %mul3A_102 = arith.constant 2 : i32
      %mul3A_103 = arith.muli %scan3A_101, %mul3A_102 : i32
      %dma_wait3A_104 = arith.constant 0 : i32
      %dma_wait3A_105 = tpu.memref_slice %arg2[%mul3A_2, %dma_wait3A_104] : memref<204800x128xf32, #tpu.memory_space<hbm>> -> memref<128x128xf32, #tpu.memory_space<hbm>>
      %dma_wait3A_106 = arith.constant 0 : i32
      %dma_wait3A_107 = tpu.memref_slice %arg2[%mul3A_2, %dma_wait3A_106] : memref<204800x128xf32, #tpu.memory_space<hbm>> -> memref<128x128xf32, #tpu.memory_space<hbm>>
      tpu.wait_dma2 semaphore(%arg10 : memref<!tpu.dma_semaphore, #tpu.memory_space<semaphore_mem>>) src(%dma_wait3A_107 : memref<128x128xf32, #tpu.memory_space<hbm>>) dst(%arg6 : memref<128x128xf32, #tpu.memory_space<vmem>>)
      %dma_wait3A_108 = arith.constant 0 : i32
      %dma_wait3A_109 = tpu.memref_slice %arg4[%mul3A_2, %dma_wait3A_108] : memref<204800x128xf32, #tpu.memory_space<hbm>> -> memref<128x128xf32, #tpu.memory_space<hbm>>
      %dma_wait3A_110 = arith.constant 0 : i32
      %dma_wait3A_111 = tpu.memref_slice %arg4[%mul3A_2, %dma_wait3A_110] : memref<204800x128xf32, #tpu.memory_space<hbm>> -> memref<128x128xf32, #tpu.memory_space<hbm>>
      tpu.wait_dma2 semaphore(%arg12 : memref<!tpu.dma_semaphore, #tpu.memory_space<semaphore_mem>>) src(%arg6 : memref<128x128xf32, #tpu.memory_space<vmem>>) dst(%dma_wait3A_111 : memref<128x128xf32, #tpu.memory_space<hbm>>)
      %add3A_112 = arith.constant 0 : i32
      %add3A_113 = arith.addi %mul3A_103, %add3A_112 : i32
      %mul3A_114 = arith.constant 128 : i32
      %mul3A_115 = arith.muli %add3A_113, %mul3A_114 : i32
      %add3A_116 = arith.addi %mul3A_2, %mul3A_115 : i32
      %dma_start3A_117 = arith.constant 0 : i32
      %dma_start3A_118 = tpu.memref_slice %arg4[%add3A_116, %dma_start3A_117] : memref<204800x128xf32, #tpu.memory_space<hbm>> -> memref<128x128xf32, #tpu.memory_space<hbm>>
      %dma_start3A_119 = arith.constant 0 : i32
      %dma_start3A_120 = tpu.memref_slice %arg4[%add3A_116, %dma_start3A_119] : memref<204800x128xf32, #tpu.memory_space<hbm>> -> memref<128x128xf32, #tpu.memory_space<hbm>>
      tpu.enqueue_dma source(%arg6 : memref<128x128xf32, #tpu.memory_space<vmem>>) target(%dma_start3A_120 : memref<128x128xf32, #tpu.memory_space<hbm>>) target_semaphore(%arg12 : memref<!tpu.dma_semaphore, #tpu.memory_space<semaphore_mem>>)
      %add3A_121 = arith.constant 0 : i32
      %add3A_122 = arith.addi %mul3A_103, %add3A_121 : i32
      %add3A_123 = arith.constant 2 : i32
      %add3A_124 = arith.addi %add3A_122, %add3A_123 : i32
      %mul3A_125 = arith.constant 128 : i32
      %mul3A_126 = arith.muli %add3A_124, %mul3A_125 : i32
      %add3A_127 = arith.addi %mul3A_2, %mul3A_126 : i32
      %dma_start3A_128 = arith.constant 0 : i32
      %dma_start3A_129 = tpu.memref_slice %arg2[%add3A_127, %dma_start3A_128] : memref<204800x128xf32, #tpu.memory_space<hbm>> -> memref<128x128xf32, #tpu.memory_space<hbm>>
      %dma_start3A_130 = arith.constant 0 : i32
      %dma_start3A_131 = tpu.memref_slice %arg2[%add3A_127, %dma_start3A_130] : memref<204800x128xf32, #tpu.memory_space<hbm>> -> memref<128x128xf32, #tpu.memory_space<hbm>>
      tpu.enqueue_dma source(%dma_start3A_131 : memref<128x128xf32, #tpu.memory_space<hbm>>) target(%arg6 : memref<128x128xf32, #tpu.memory_space<vmem>>) target_semaphore(%arg10 : memref<!tpu.dma_semaphore, #tpu.memory_space<semaphore_mem>>)
      %dma_wait3A_132 = arith.constant 0 : i32
      %dma_wait3A_133 = tpu.memref_slice %arg2[%mul3A_2, %dma_wait3A_132] : memref<204800x128xf32, #tpu.memory_space<hbm>> -> memref<128x128xf32, #tpu.memory_space<hbm>>
      %dma_wait3A_134 = arith.constant 0 : i32
      %dma_wait3A_135 = tpu.memref_slice %arg2[%mul3A_2, %dma_wait3A_134] : memref<204800x128xf32, #tpu.memory_space<hbm>> -> memref<128x128xf32, #tpu.memory_space<hbm>>
      tpu.wait_dma2 semaphore(%arg11 : memref<!tpu.dma_semaphore, #tpu.memory_space<semaphore_mem>>) src(%dma_wait3A_135 : memref<128x128xf32, #tpu.memory_space<hbm>>) dst(%arg7 : memref<128x128xf32, #tpu.memory_space<vmem>>)
      %dma_wait3A_136 = arith.constant 0 : i32
      %dma_wait3A_137 = tpu.memref_slice %arg4[%mul3A_2, %dma_wait3A_136] : memref<204800x128xf32, #tpu.memory_space<hbm>> -> memref<128x128xf32, #tpu.memory_space<hbm>>
      %dma_wait3A_138 = arith.constant 0 : i32
      %dma_wait3A_139 = tpu.memref_slice %arg4[%mul3A_2, %dma_wait3A_138] : memref<204800x128xf32, #tpu.memory_space<hbm>> -> memref<128x128xf32, #tpu.memory_space<hbm>>
      tpu.wait_dma2 semaphore(%arg13 : memref<!tpu.dma_semaphore, #tpu.memory_space<semaphore_mem>>) src(%arg7 : memref<128x128xf32, #tpu.memory_space<vmem>>) dst(%dma_wait3A_139 : memref<128x128xf32, #tpu.memory_space<hbm>>)
      %add3A_140 = arith.constant 1 : i32
      %add3A_141 = arith.addi %mul3A_103, %add3A_140 : i32
      %mul3A_142 = arith.constant 128 : i32
      %mul3A_143 = arith.muli %add3A_141, %mul3A_142 : i32
      %add3A_144 = arith.addi %mul3A_2, %mul3A_143 : i32
      %dma_start3A_145 = arith.constant 0 : i32
      %dma_start3A_146 = tpu.memref_slice %arg4[%add3A_144, %dma_start3A_145] : memref<204800x128xf32, #tpu.memory_space<hbm>> -> memref<128x128xf32, #tpu.memory_space<hbm>>
      %dma_start3A_147 = arith.constant 0 : i32
      %dma_start3A_148 = tpu.memref_slice %arg4[%add3A_144, %dma_start3A_147] : memref<204800x128xf32, #tpu.memory_space<hbm>> -> memref<128x128xf32, #tpu.memory_space<hbm>>
      tpu.enqueue_dma source(%arg7 : memref<128x128xf32, #tpu.memory_space<vmem>>) target(%dma_start3A_148 : memref<128x128xf32, #tpu.memory_space<hbm>>) target_semaphore(%arg13 : memref<!tpu.dma_semaphore, #tpu.memory_space<semaphore_mem>>)
      %add3A_149 = arith.constant 1 : i32
      %add3A_150 = arith.addi %mul3A_103, %add3A_149 : i32
      %add3A_151 = arith.constant 2 : i32
      %add3A_152 = arith.addi %add3A_150, %add3A_151 : i32
      %mul3A_153 = arith.constant 128 : i32
      %mul3A_154 = arith.muli %add3A_152, %mul3A_153 : i32
      %add3A_155 = arith.addi %mul3A_2, %mul3A_154 : i32
      %dma_start3A_156 = arith.constant 0 : i32
      %dma_start3A_157 = tpu.memref_slice %arg2[%add3A_155, %dma_start3A_156] : memref<204800x128xf32, #tpu.memory_space<hbm>> -> memref<128x128xf32, #tpu.memory_space<hbm>>
      %dma_start3A_158 = arith.constant 0 : i32
      %dma_start3A_159 = tpu.memref_slice %arg2[%add3A_155, %dma_start3A_158] : memref<204800x128xf32, #tpu.memory_space<hbm>> -> memref<128x128xf32, #tpu.memory_space<hbm>>
      tpu.enqueue_dma source(%dma_start3A_159 : memref<128x128xf32, #tpu.memory_space<hbm>>) target(%arg7 : memref<128x128xf32, #tpu.memory_space<vmem>>) target_semaphore(%arg11 : memref<!tpu.dma_semaphore, #tpu.memory_space<semaphore_mem>>)
    }
    %scan3A_64 = arith.constant 23 : i32
    %dma_wait3A_65 = arith.constant 0 : i32
    %dma_wait3A_66 = tpu.memref_slice %arg2[%mul3A_2, %dma_wait3A_65] : memref<204800x128xf32, #tpu.memory_space<hbm>> -> memref<128x128xf32, #tpu.memory_space<hbm>>
    %dma_wait3A_67 = arith.constant 0 : i32
    %dma_wait3A_68 = tpu.memref_slice %arg2[%mul3A_2, %dma_wait3A_67] : memref<204800x128xf32, #tpu.memory_space<hbm>> -> memref<128x128xf32, #tpu.memory_space<hbm>>
    tpu.wait_dma2 semaphore(%arg10 : memref<!tpu.dma_semaphore, #tpu.memory_space<semaphore_mem>>) src(%dma_wait3A_68 : memref<128x128xf32, #tpu.memory_space<hbm>>) dst(%arg6 : memref<128x128xf32, #tpu.memory_space<vmem>>)
    %dma_wait3A_69 = arith.constant 0 : i32
    %dma_wait3A_70 = tpu.memref_slice %arg4[%mul3A_2, %dma_wait3A_69] : memref<204800x128xf32, #tpu.memory_space<hbm>> -> memref<128x128xf32, #tpu.memory_space<hbm>>
    %dma_wait3A_71 = arith.constant 0 : i32
    %dma_wait3A_72 = tpu.memref_slice %arg4[%mul3A_2, %dma_wait3A_71] : memref<204800x128xf32, #tpu.memory_space<hbm>> -> memref<128x128xf32, #tpu.memory_space<hbm>>
    tpu.wait_dma2 semaphore(%arg12 : memref<!tpu.dma_semaphore, #tpu.memory_space<semaphore_mem>>) src(%arg6 : memref<128x128xf32, #tpu.memory_space<vmem>>) dst(%dma_wait3A_72 : memref<128x128xf32, #tpu.memory_space<hbm>>)
    %add3A_73 = arith.constant 6144 : i32
    %add3A_74 = arith.addi %mul3A_2, %add3A_73 : i32
    %dma_start3A_75 = arith.constant 0 : i32
    %dma_start3A_76 = tpu.memref_slice %arg4[%add3A_74, %dma_start3A_75] : memref<204800x128xf32, #tpu.memory_space<hbm>> -> memref<128x128xf32, #tpu.memory_space<hbm>>
    %dma_start3A_77 = arith.constant 0 : i32
    %dma_start3A_78 = tpu.memref_slice %arg4[%add3A_74, %dma_start3A_77] : memref<204800x128xf32, #tpu.memory_space<hbm>> -> memref<128x128xf32, #tpu.memory_space<hbm>>
    tpu.enqueue_dma source(%arg6 : memref<128x128xf32, #tpu.memory_space<vmem>>) target(%dma_start3A_78 : memref<128x128xf32, #tpu.memory_space<hbm>>) target_semaphore(%arg12 : memref<!tpu.dma_semaphore, #tpu.memory_space<semaphore_mem>>)
    %dma_wait3A_79 = arith.constant 0 : i32
    %dma_wait3A_80 = tpu.memref_slice %arg2[%mul3A_2, %dma_wait3A_79] : memref<204800x128xf32, #tpu.memory_space<hbm>> -> memref<128x128xf32, #tpu.memory_space<hbm>>
    %dma_wait3A_81 = arith.constant 0 : i32
    %dma_wait3A_82 = tpu.memref_slice %arg2[%mul3A_2, %dma_wait3A_81] : memref<204800x128xf32, #tpu.memory_space<hbm>> -> memref<128x128xf32, #tpu.memory_space<hbm>>
    tpu.wait_dma2 semaphore(%arg11 : memref<!tpu.dma_semaphore, #tpu.memory_space<semaphore_mem>>) src(%dma_wait3A_82 : memref<128x128xf32, #tpu.memory_space<hbm>>) dst(%arg7 : memref<128x128xf32, #tpu.memory_space<vmem>>)
    %dma_wait3A_83 = arith.constant 0 : i32
    %dma_wait3A_84 = tpu.memref_slice %arg4[%mul3A_2, %dma_wait3A_83] : memref<204800x128xf32, #tpu.memory_space<hbm>> -> memref<128x128xf32, #tpu.memory_space<hbm>>
    %dma_wait3A_85 = arith.constant 0 : i32
    %dma_wait3A_86 = tpu.memref_slice %arg4[%mul3A_2, %dma_wait3A_85] : memref<204800x128xf32, #tpu.memory_space<hbm>> -> memref<128x128xf32, #tpu.memory_space<hbm>>
    tpu.wait_dma2 semaphore(%arg13 : memref<!tpu.dma_semaphore, #tpu.memory_space<semaphore_mem>>) src(%arg7 : memref<128x128xf32, #tpu.memory_space<vmem>>) dst(%dma_wait3A_86 : memref<128x128xf32, #tpu.memory_space<hbm>>)
    %add3A_87 = arith.constant 6272 : i32
    %add3A_88 = arith.addi %mul3A_2, %add3A_87 : i32
    %dma_start3A_89 = arith.constant 0 : i32
    %dma_start3A_90 = tpu.memref_slice %arg4[%add3A_88, %dma_start3A_89] : memref<204800x128xf32, #tpu.memory_space<hbm>> -> memref<128x128xf32, #tpu.memory_space<hbm>>
    %dma_start3A_91 = arith.constant 0 : i32
    %dma_start3A_92 = tpu.memref_slice %arg4[%add3A_88, %dma_start3A_91] : memref<204800x128xf32, #tpu.memory_space<hbm>> -> memref<128x128xf32, #tpu.memory_space<hbm>>
    tpu.enqueue_dma source(%arg7 : memref<128x128xf32, #tpu.memory_space<vmem>>) target(%dma_start3A_92 : memref<128x128xf32, #tpu.memory_space<hbm>>) target_semaphore(%arg13 : memref<!tpu.dma_semaphore, #tpu.memory_space<semaphore_mem>>)
    %dma_wait3A_93 = arith.constant 0 : i32
    %dma_wait3A_94 = tpu.memref_slice %arg4[%mul3A_2, %dma_wait3A_93] : memref<204800x128xf32, #tpu.memory_space<hbm>> -> memref<128x128xf32, #tpu.memory_space<hbm>>
    %dma_wait3A_95 = arith.constant 0 : i32
    %dma_wait3A_96 = tpu.memref_slice %arg4[%mul3A_2, %dma_wait3A_95] : memref<204800x128xf32, #tpu.memory_space<hbm>> -> memref<128x128xf32, #tpu.memory_space<hbm>>
    tpu.wait_dma2 semaphore(%arg12 : memref<!tpu.dma_semaphore, #tpu.memory_space<semaphore_mem>>) src(%arg6 : memref<128x128xf32, #tpu.memory_space<vmem>>) dst(%dma_wait3A_96 : memref<128x128xf32, #tpu.memory_space<hbm>>)
    %dma_wait3A_97 = arith.constant 0 : i32
    %dma_wait3A_98 = tpu.memref_slice %arg4[%mul3A_2, %dma_wait3A_97] : memref<204800x128xf32, #tpu.memory_space<hbm>> -> memref<128x128xf32, #tpu.memory_space<hbm>>
    %dma_wait3A_99 = arith.constant 0 : i32
    %dma_wait3A_100 = tpu.memref_slice %arg4[%mul3A_2, %dma_wait3A_99] : memref<204800x128xf32, #tpu.memory_space<hbm>> -> memref<128x128xf32, #tpu.memory_space<hbm>>
    tpu.wait_dma2 semaphore(%arg13 : memref<!tpu.dma_semaphore, #tpu.memory_space<semaphore_mem>>) src(%arg7 : memref<128x128xf32, #tpu.memory_space<vmem>>) dst(%dma_wait3A_100 : memref<128x128xf32, #tpu.memory_space<hbm>>)
    return
  }
}

</mosaic_0001>

<sc_bundles>
// kernel: kernel.3.cloned.1.call-start
scs
__scs_entry_jumppad:
0x0: {  	(pc) =	sbr.rel $0x88, $3  }
0x1: {  	(tag) =	ssettag $0x0;
	lr =	simm.s32 $0x1  }
0x2: {  	[smem:$0x3F9F] =	sst lr;
	_ =	strace $0xD0000000  }
0x3: {  	_ = 	snop  }
0x4: {  	_ = 	snop  }
0x5: {  	_ = 	snop  }
0x6: {  	_ = 	snop  }
0x7: {  	_ = 	snop  }
__scs_overlays_trampoline_lowered:
0x8: {  	[smem:$0x3FAE] =	sst s0  }
0x9: {  	[smem:$0x3FAF] =	sst s1  }
0xa: {  	[smem:$0x3FB0] =	sst s2  }
0xb: {  	[smem:$0x3FB1] =	sst s3  }
0xc: {  	[smem:$0x3FB2] =	sst s4  }
0xd: {  	[smem:$0x3FB3] =	sst s5  }
0xe: {  	[smem:$0x3FB4] =	sst s6  }
0xf: {  	[smem:$0x3FB5] =	sst s7  }
0x10: {  	[smem:$0x3FB6] =	sst s8  }
0x11: {  	[smem:$0x3FB7] =	sst s9;
	s0 =	simm.s32 @!p0 $0x0  }
0x12: {  	s1 =	sld [smem:$0x3F9D];
	s0 =	simm.s32 @p0 $0x1  }
0x13: {  	[smem:$0x3FB8] =	sst s0;
	s0 =	simm.s32 @!p1 $0x0  }
0x14: {  	s2 =	sld [smem:$0x3F9C];
	s0 =	simm.s32 @p1 $0x1  }
0x15: {  	[smem:$0x3FB9] =	sst s0;
	s0 =	simm.s32 @!p2 $0x0  }
0x16: {  	s3 =	sld [smem:$0x3FDB];
	s0 =	simm.s32 @p2 $0x1  }
0x17: {  	s4 =	simm.s32 $0x1BF5;
	[smem:$0x3FBB] =	sst s0  }
0x18: {  	s0 =	sld [smem:$0x3F9E];
	_ =	swait.ge [sflag:s4], $0x0  }
0x19: {  	s7 =	sld [smem:$0x3F9F]  }
0x1a: {  	s8 =	sadd.s32 $0xFFFFE003, lr  }
0x1b: {  	s9 =	sadd.s32 $0xFFFFFEF7, lr;
	s5 =	simm.s32 $0xFFFFFFFF;
	p2 =	slt.u32 s8, $0xFFFFF086  }
0x1c: {  	p1 =	slt.u32 s9, $0xF7A;
	s5 =	simm.s32 @!p2 $0x0  }
0x1d: {  	s5 =	simm.s32 @p1 $0x1;
	p0 =	seq.s32 s7, s2  }
0x1e: {  	s7 =	smul.u32 @!p0 $0xF7A, s2;
	p2 =	seq.s32 @!p0 s5, $0x0  }
0x1f: {  	s9 =	smul.u32 $0xF7A, s1;
	s8 =	simm.s32 @!p0 $0x1BF5;
	p2 =	por !p2, p0  }
0x20: {  	[sflag:s8] =	ssyncset.s32 @!p0 $0xFFFFF086;
	s6 =	sadd.s32 @!p0 s3, s7;
	s7 =	simm.s32 @!p0 $0x108  }
0x21: {  	s3 =	sadd.s32 s3, s9;
	s6 =	sadd.s32 @!p0 $0x88, s6;
	s7 =	simm.s32 @p2 $0x1082  }
0x22: {  	[simem:s7], [sflag:s8] =	dma.local @!p0 [hbm:s6], $0xF7A  }
0x23: {  	s9 =	sor.u32 $0xD0000000, s2;
	s6 =	simm.s32 $0x108;
	_ =	swait.ge @!p0 [sflag:s8], $0x0  }
0x24: {  	s3 =	sadd.s32 $0x88, s3;
	s6 =	simm.s32 @!p1 $0x1082;
	[sflag:s4] =	ssyncset.s32 $0xFFFFF086  }
0x25: {  	[simem:s6], [sflag:s4] =	dma.local [hbm:s3], $0xF7A  }
0x26: {  	[smem:$0x3F9F] =	sst s1;
	(tag) =	ssettag s2;
	_ =	strace s9  }
0x27: {  	s1 =	sld [smem:$0x3FAF]  }
0x28: {  	s2 =	sld [smem:$0x3FB0]  }
0x29: {  	s4 =	sld [smem:$0x3FB2]  }
0x2a: {  	p0 =	seq.s32 s5, $0x0;
	s5 =	sld [smem:$0x3FB3]  }
0x2b: {  	s6 =	sld [smem:$0x3FB4]  }
0x2c: {  	s7 =	sld [smem:$0x3FB5]  }
0x2d: {  	s3 =	simm.s32 $0x108;
	s8 =	sld [smem:$0x3FB6]  }
0x2e: {  	s3 =	simm.s32 @!p0 $0x1082;
	s9 =	sld [smem:$0x3FB7]  }
0x2f: {  	lr =	sadd.s32 s0, s3;
	s0 =	sld [smem:$0x3FAE]  }
0x30: {  	s3 =	sld [smem:$0x3FB1]  }
0x31: {  	[smem:$0x3FBA] =	sst s10  }
0x32: {  	s10 =	sld [smem:$0x3FB8];
	_ =	sdelay $0x3  }
0x33: {  	p0 =	seq.s32 s10, $0x1;
	s10 =	sld [smem:$0x3FBA];
	_ =	sdelay $0x3  }
0x34: {  	[smem:$0x3FBA] =	sst s10  }
0x35: {  	s10 =	sld [smem:$0x3FB9];
	_ =	sdelay $0x3  }
0x36: {  	p1 =	seq.s32 s10, $0x1;
	s10 =	sld [smem:$0x3FBA];
	_ =	sdelay $0x3  }
0x37: {  	[smem:$0x3FBA] =	sst s10  }
0x38: {  	s10 =	sld [smem:$0x3FBB]  }
0x39: {  	_ = 	snop;
	(pc) =	sbr.ind lr, $3  }
0x3a: {  	_ = 	snop  }
0x3b: {  	_ = 	snop  }
0x3c: {  	p2 =	seq.s32 s10, $0x1;
	s10 =	sld [smem:$0x3FBA]  }
0x3d: {  	_ =	shalt  }
0x3e: {  	_ =	shalt  }
0x3f: {  	_ =	shalt  }
0x40: {  	_ =	shalt  }
0x41: {  	_ =	shalt  }
0x42: {  	_ =	shalt  }
0x43: {  	_ =	shalt  }
0x44: {  	_ =	shalt  }
0x45: {  	_ =	shalt  }
0x46: {  	_ =	shalt  }
0x47: {  	_ =	shalt  }
0x48: {  	_ =	shalt  }
0x49: {  	_ =	shalt  }
0x4a: {  	_ =	shalt  }
0x4b: {  	_ =	shalt  }
0x4c: {  	_ =	shalt  }
0x4d: {  	_ =	shalt  }
0x4e: {  	_ =	shalt  }
0x4f: {  	_ =	shalt  }
0x50: {  	_ =	shalt  }
0x51: {  	_ =	shalt  }
0x52: {  	_ =	shalt  }
0x53: {  	_ =	shalt  }
0x54: {  	_ =	shalt  }
0x55: {  	_ =	shalt  }
0x56: {  	_ =	shalt  }
0x57: {  	_ =	shalt  }
0x58: {  	_ =	shalt  }
0x59: {  	_ =	shalt  }
0x5a: {  	_ =	shalt  }
0x5b: {  	_ =	shalt  }
0x5c: {  	_ =	shalt  }
0x5d: {  	_ =	shalt  }
0x5e: {  	_ =	shalt  }
0x5f: {  	_ =	shalt  }
0x60: {  	_ =	shalt  }
0x61: {  	_ =	shalt  }
0x62: {  	_ =	shalt  }
0x63: {  	_ =	shalt  }
0x64: {  	_ =	shalt  }
0x65: {  	_ =	shalt  }
0x66: {  	_ =	shalt  }
0x67: {  	_ =	shalt  }
0x68: {  	_ =	shalt  }
0x69: {  	_ =	shalt  }
0x6a: {  	_ =	shalt  }
0x6b: {  	_ =	shalt  }
0x6c: {  	_ =	shalt  }
0x6d: {  	_ =	shalt  }
0x6e: {  	_ =	shalt  }
0x6f: {  	_ =	shalt  }
0x70: {  	_ =	shalt  }
0x71: {  	_ =	shalt  }
0x72: {  	_ =	shalt  }
0x73: {  	_ =	shalt  }
0x74: {  	_ =	shalt  }
0x75: {  	_ =	shalt  }
0x76: {  	_ =	shalt  }
0x77: {  	_ =	shalt  }
0x78: {  	_ =	shalt  }
0x79: {  	_ =	shalt  }
0x7a: {  	_ =	shalt  }
0x7b: {  	_ =	shalt  }
0x7c: {  	_ =	shalt  }
0x7d: {  	_ =	shalt  }
0x7e: {  	_ =	shalt  }
0x7f: {  	_ =	shalt  }
0x80: {  	_ =	shalt  }
0x81: {  	_ =	shalt  }
0x82: {  	_ =	shalt  }
0x83: {  	_ =	shalt  }
0x84: {  	_ =	shalt  }
0x85: {  	_ =	shalt  }
0x86: {  	_ =	shalt  }
0x87: {  	_ =	shalt  }
.Lfunc_end0:
.L_simem_size_0:
called_computation_lowered:
.L_overlay_start_0:
0x88: {  	s2 =	sld [smem:$0x3FD9]  }
0x89: {  	s3 =	sld [smem:$0x3FFE];
	_ =	sdelay $0x1  }
0x8a: {  	s1 =	srdreg.scid  }
0x8b: {  	s0 =	sand.u32 $0x1, s1  }
0x8c: {  	s18 =	sshll.u32 s0, $0xA;
	s2 =	sadd.s32 s3, s2  }
0x8d: {  	s2 =	sadd.s32 s2, s18  }
0x8e: {  	[smem:$0x3FC6] =	sst s2  }
0x8f: {  	_ = 	snop  }
0x90: {  	s2 =	sld [smem:$0x3FC9]  }
0x91: {  	s19 =	sld [smem:$0x3FC8]  }
0x92: {  	s4 =	sld [smem:$0x3FD0];
	(tm) =	ssettm $0x1  }
0x93: {  	s5 =	sld [smem:$0x3FFB];
	_ =	sdelay $0x3  }
0x94: {  	_ =	strace s5  }
0x95: {  	s5 =	sld [smem:$0x3FFC];
	_ =	sdelay $0x3  }
0x96: {  	_ =	strace s5  }
0x97: {  	s5 =	sld [smem:$0x3FFD];
	_ =	sdelay $0x3  }
0x98: {  	_ =	strace s5  }
0x99: {  	_ =	strace $0x8FFFFFFF  }
0x9a: {  	s20 =	sld [smem:$0x3FDB];
	_ =	sdelay $0x1  }
0x9b: {  	s6 =	simm.s32 $_scs_section_size  }
0x9c: {  	s7 =	simm.s32 $_size__tile_overlayer_lowered;
	s8 =	simm.s32 $_tile_overlayer_lowered  }
0x9d: {  	s23 =	simm.s32 $0x1BFF;
	s22 =	sshll.u32 s8, $0x1;
	s5 =	sadd.s32 s6, s20  }
0x9e: {  	s9 =	simm.s32 $0x0;
	s21 =	sshll.u32 s7, $0x1;
	s7 =	sadd.s32 s22, s5  }
0x9f: {  	[timem:s9], [sflag:s23] =	dma.local [hbm:s7], s21  }
0xa0: {  	_ =	swait.ge [sflag:s23], s21  }
0xa1: {  	s6 =	ssub.s32 $0x0, s21;
	[sflag:s23] =	ssyncset.done $0x0  }
0xa2: {  	[sflag:s23] =	ssyncadd.s32 s6;
	_ =	sdelay $0x1  }
0xa3: {  	s24 =	simm.s32 $0x1B8B  }
0xa4: {  	_ =	swait.ge [sflag:s24], $0x1  }
0xa5: {  	[sflag:s24] =	ssyncset.done $0x0  }
0xa6: {  	s25 =	simm.s32 $0x1B8E;
	[sflag:s24] =	ssyncadd.s32 $0xFFFFFFFF  }
0xa7: {  	s26 =	simm.s32 $execute0_lowered;
	[smem:$0x3FD2] =	sst s25  }
0xa8: {  	s6 =	sshll.u32 s26, $0x1;
	_ =	strace $0x80000046;
	[dreg:$0x1] =	wrdreg $0xFFFFFFFF  }
0xa9: {  	s28 =	simm.s32 $_size_execute0_lowered;
	s5 =	sadd.s32 s5, s6;
	[dreg:$0x0] =	wrdreg $0x0  }
0xaa: {  	s6 =	sshll.u32 s28, $0x1;
	[dreg:$0x2] =	wrdreg s5  }
0xab: {  	[dreg:$0x3] =	wrdreg s6  }
0xac: {  	[dreg:$0x4] =	wrdreg $0xC0  }
0xad: {  	_ =	task [dreg:s9], $0x5FFFF  }
0xae: {  	[dreg:$0x1] =	wrdreg $0xFFFFFFFF  }
0xaf: {  	[dreg:$0x0] =	wrdreg $0x60  }
0xb0: {  	[dreg:$0x2] =	wrdreg s2  }
0xb1: {  	[dreg:$0x3] =	wrdreg s19  }
0xb2: {  	[dreg:$0x4] =	wrdreg s4  }
0xb3: {  	[dreg:$0x5] =	wrdreg $0x9  }
0xb4: {  	_ =	task.clear_ibuf [dreg:s9], $0x6FFFF;
	_ =	strace $0x90000046  }
0xb5: {  	s29 =	simm.s32 $0x9;
	_ =	strace $0x80000048  }
0xb6: {  	_ =	swait.ge [sflag:s29], $0x1  }
0xb7: {  	[sflag:s29] =	ssyncadd.s32 $0xFFFFFFFF  }
0xb8: {  	_ =	strace $0x90000048  }
0xb9: {  	_ =	sfence  }
0xba: {  	s30 =	sld [smem:$0x0];
	_ =	sdelay $0x2  }
0xbb: {  	s31 =	sshll.u32 s1, $0xD;
	s1 =	sshrl.u32 s1, $0x2  }
0xbc: {  	s3 =	sand.u32 $0x4000, s31;
	s1 =	sadd.s32 s1, s30  }
0xbd: {  	s0 =	sor.u32 s3, s0;
	s1 =	sshll.u32 s1, $0x11  }
0xbe: {  	s0 =	sor.u32 s1, s0  }
0xbf: {  	s0 =	sadd.s32 $0x8F2B, s0  }
0xc0: {  	[sflag:s0] =	ssyncadd.remote.s32 $0x1  }
0xc1: {  	_ =	sfence.sel $0xFFFF  }
0xc2: {  	[dreg:$0x0] =	wrdreg $0xFFFFFFFF;
	(pc) =	sbr.abs _section_cstart, $3  }
0xc3: {  	[dreg:$0x1] =	wrdreg $0xFFFFFFFF  }
0xc4: {  	_ =	task.clear_ibuf [dreg:s9], $0x2FFFF;
	_ =	strace $0x9FFFFFFF  }
0xc5: {  	(tm) =	ssettm $0x7FFFFFFF  }
tec
execute0_lowered:
.L_overlay_start_1:
0x0: {  	(tag) =	ssettag $0x1  }
0x1: {  	s14 =	rddreg [dreg:$0x0];
	s1 =	srdreg.scid  }
0x2: {  	s0 =	stileid.u32;
	s2 =	rddreg [dreg:$0x1]  }
0x3: {  	s3 =	rddreg [dreg:$0x2];
	s4 =	simm.s32 $0x0;
	s20 =	simm.s32 $0x1  }
0x4: {  	s21 =	simm.s32 $0x2;
	s22 =	simm.s32 $0x3;
	s16 =	smul.u32 $0x190000, s0  }
0x5: {  	s23 =	simm.s32 $0x4;
	s15 =	sand.u32 $0x1, s1;
	s18 =	smul.u32 $0x32000, s0  }
0x6: {  	s24 =	simm.s32 $0x0;
	s26 =	sshll.u32 s0, $0x1;
	s17 =	smul.u32 $0xC8000, s15  }
0x7: {  	s1 =	rddreg [dreg:$0x3];
	s5 =	sor.u32 s15, s26;
	s19 =	smul.u32 $0x19000, s15  }
0x8: {  	[smem:$0x7FF] =	sst s4;
	s6 =	ssub.s32 $0x2, s15;
	s7 =	smul.u32 $0x19000, s5  }
0x9: {  	_ =	strace $0x80000047;
	s5 =	smul.u32 $0xC8000, s5;
	s8 =	sshrl.u32 s6, $0x1  }
0xa: {  	s29 =	sadd.s32 s18, s14;
	s30 =	sadd.s32 s18, s3;
	s18 =	simm.s32 $0x80  }
0xb: {  	s13 =	ssub.s32 s6, s8;
	s28 =	sadd.s32 s17, s16;
	s15 =	sadd.s32 s19, s29  }
0xc: {  	s31 =	sadd.s32 s19, s30;
	s17 =	simm.s32 $0x5;
	s19 =	simm.s32 $0x4080  }
0xd: {  	s9 =	sor.u32 $0x800, s7;
	s10 =	sshrl.u32 s5, $0x3;
	s5 =	sadd.s32 s14, s7  }
0xe: {  	s7 =	sadd.s32 s3, s7;
	s13 =	smax.u32 s13, $0x1;
	s16 =	sadd.s32 $0x1800, s31  }
0xf: {  	s6 =	sadd.s32 s14, s9;
	s11 =	sadd.s32 s14, s10;
	s9 =	sadd.s32 s3, s9  }
0x10: {  	s12 =	sadd.s32 s3, s10;
	s14 =	sadd.s32 $0x8000, s28;
	s8 =	sadd.s32 $0x1000, s11  }
0x11: {  	s10 =	sadd.s32 $0x1800, s11;
	s11 =	sadd.s32 $0x18000, s12;
	s12 =	sadd.s32 $0x18800, s12  }
.LBB2_1:
0x12: {  	[tilespmem:s4], [sflag:$0x5] =	stream.linear.gather [hbm4b:s2+s4], $0x80, $0x38;
	[tilespmem:$0x8080] =	vst v63  }
0x13: {  	_ =	swait.ge [sflag:s17], $0x80  }
0x14: {  	[sflag:s17] =	ssyncset.done $0x0  }
0x15: {  	[sflag:s17] =	ssyncadd.s32 $0xFFFFFF80  }
0x16: {  	[tilespmem:s18], [sflag:$0x1] =	stream.linear.gather [hbm4b:s5+s4], $0x4000, $0x38;
	[tilespmem:$0x8080] =	vst v63  }
0x17: {  	_ = 	snop  }
0x18: {  	[tilespmem:s19], [sflag:$0x2] =	stream.linear.gather [hbm4b:s6+s4], $0x4000, $0x38;
	[tilespmem:$0x8080] =	vst v63  }
0x19: {  	_ =	swait.ge [sflag:s20], $0x4000  }
0x1a: {  	[sflag:s20] =	ssyncset.done $0x0  }
0x1b: {  	[sflag:s20] =	ssyncadd.s32 $0xFFFFC000  }
0x1c: {  	[hbm4b:s7+s4] =	stream.linear.scatter [tilespmem:s18], [sflag:$0x3], $0x4000, $0x38;
	[tilespmem:$0x8080] =	vst v63  }
0x1d: {  	_ = 	snop  }
0x1e: {  	[tilespmem:s18], [sflag:$0x1] =	stream.linear.gather [hbm4b:s8+s4], $0x4000, $0x38;
	[tilespmem:$0x8080] =	vst v63  }
0x1f: {  	_ =	swait.ge [sflag:s21], $0x4000  }
0x20: {  	[sflag:s21] =	ssyncset.done $0x0  }
0x21: {  	[sflag:s21] =	ssyncadd.s32 $0xFFFFC000  }
0x22: {  	[hbm4b:s9+s4] =	stream.linear.scatter [tilespmem:s19], [sflag:$0x4], $0x4000, $0x38;
	[tilespmem:$0x8080] =	vst v63  }
0x23: {  	_ = 	snop  }
0x24: {  	[tilespmem:s19], [sflag:$0x2] =	stream.linear.gather [hbm4b:s10+s4], $0x4000, $0x38;
	[tilespmem:$0x8080] =	vst v63  }
0x25: {  	_ =	swait.ge [sflag:s20], $0x4000  }
0x26: {  	[sflag:s20] =	ssyncset.done $0x0  }
0x27: {  	[sflag:s20] =	ssyncadd.s32 $0xFFFFC000  }
0x28: {  	_ =	swait.ge [sflag:s22], $0x4000  }
0x29: {  	s25 =	sshrl.u32 s14, $0x3;
	[sflag:s22] =	ssyncset.done $0x0  }
0x2a: {  	s26 =	sadd.s32 $0x0, s15;
	s25 =	sadd.s32 s3, s25;
	[sflag:s22] =	ssyncadd.s32 $0xFFFFC000  }
0x2b: {  	[hbm4b:s25+s4] =	stream.linear.scatter [tilespmem:s18], [sflag:$0x3], $0x4000, $0x38;
	[tilespmem:$0x8080] =	vst v63  }
0x2c: {  	s30 =	sadd.s32 $0x2000, s26  }
0x2d: {  	[tilespmem:s18], [sflag:$0x1] =	stream.linear.gather [hbm4b:s30+s4], $0x4000, $0x38;
	[tilespmem:$0x8080] =	vst v63  }
0x2e: {  	_ =	swait.ge [sflag:s21], $0x4000  }
0x2f: {  	[sflag:s21] =	ssyncset.done $0x0  }
0x30: {  	[sflag:s21] =	ssyncadd.s32 $0xFFFFC000  }
0x31: {  	_ =	swait.ge [sflag:s23], $0x4000  }
0x32: {  	s31 =	sadd.s32 $0x0, s16;
	s28 =	sadd.s32 $0x2800, s26;
	[sflag:s23] =	ssyncset.done $0x0  }
0x33: {  	s26 =	sadd.s32 $0x8000, s14;
	s25 =	simm.s32 $0x1000;
	[sflag:s23] =	ssyncadd.s32 $0xFFFFC000  }
0x34: {  	[hbm4b:s31+s4] =	stream.linear.scatter [tilespmem:s19], [sflag:$0x4], $0x4000, $0x38;
	[tilespmem:$0x8080] =	vst v63  }
.LBB2_2:
0x35: {  	[tilespmem:s19], [sflag:$0x2] =	stream.linear.gather [hbm4b:s28+s4], $0x4000, $0x38;
	[tilespmem:$0x8080] =	vst v63  }
0x36: {  	s28 =	smov.u32 s25  }
0x37: {  	p0 =	sne.s32 s25, $0x16000;
	s25 =	sadd.s32 $0x1000, s25;
	_ =	swait.ge [sflag:s20], $0x4000  }
0x38: {  	[sflag:s20] =	ssyncset.done $0x0  }
0x39: {  	[sflag:s20] =	ssyncadd.s32 $0xFFFFC000  }
0x3a: {  	_ =	swait.ge [sflag:s22], $0x4000  }
0x3b: {  	s29 =	sshrl.u32 s26, $0x3;
	[sflag:s22] =	ssyncset.done $0x0  }
0x3c: {  	s29 =	sadd.s32 s3, s29;
	s30 =	sadd.s32 s28, s15;
	[sflag:s22] =	ssyncadd.s32 $0xFFFFC000  }
0x3d: {  	[hbm4b:s29+s4] =	stream.linear.scatter [tilespmem:s18], [sflag:$0x3], $0x4000, $0x38;
	[tilespmem:$0x8080] =	vst v63  }
0x3e: {  	s29 =	sadd.s32 $0x2000, s30  }
0x3f: {  	[tilespmem:s18], [sflag:$0x1] =	stream.linear.gather [hbm4b:s29+s4], $0x4000, $0x38;
	[tilespmem:$0x8080] =	vst v63  }
0x40: {  	_ =	swait.ge [sflag:s21], $0x4000  }
0x41: {  	[sflag:s21] =	ssyncset.done $0x0  }
0x42: {  	[sflag:s21] =	ssyncadd.s32 $0xFFFFC000  }
.Ltmp0:
0x43: {  	_ =	swait.ge [sflag:s23], $0x4000;
	(pc) =	sbr.rel @p0 .LBB2_2-.Ltmp0, $4  }
0x44: {  	[sflag:s23] =	ssyncset.done $0x0  }
0x45: {  	s28 =	sadd.s32 s28, s16;
	[sflag:s23] =	ssyncadd.s32 $0xFFFFC000  }
0x46: {  	[hbm4b:s28+s4] =	stream.linear.scatter [tilespmem:s19], [sflag:$0x4], $0x4000, $0x38;
	[tilespmem:$0x8080] =	vst v63  }
0x47: {  	s26 =	sadd.s32 $0x8000, s26;
	s28 =	sadd.s32 $0x2800, s30  }
0x48: {  	[tilespmem:s19], [sflag:$0x2] =	stream.linear.gather [hbm4b:s28+s4], $0x4000, $0x38;
	[tilespmem:$0x8080] =	vst v63  }
0x49: {  	_ =	swait.ge [sflag:s20], $0x4000  }
0x4a: {  	[sflag:s20] =	ssyncset.done $0x0  }
0x4b: {  	[sflag:s20] =	ssyncadd.s32 $0xFFFFC000  }
0x4c: {  	_ =	swait.ge [sflag:s22], $0x4000  }
0x4d: {  	[sflag:s22] =	ssyncset.done $0x0  }
0x4e: {  	[sflag:s22] =	ssyncadd.s32 $0xFFFFC000  }
0x4f: {  	[hbm4b:s11+s4] =	stream.linear.scatter [tilespmem:s18], [sflag:$0x3], $0x4000, $0x38;
	[tilespmem:$0x8080] =	vst v63  }
0x50: {  	_ =	swait.ge [sflag:s21], $0x4000  }
0x51: {  	[sflag:s21] =	ssyncset.done $0x0  }
0x52: {  	[sflag:s21] =	ssyncadd.s32 $0xFFFFC000  }
0x53: {  	_ =	swait.ge [sflag:s23], $0x4000  }
0x54: {  	[sflag:s23] =	ssyncset.done $0x0  }
0x55: {  	s24 =	sadd.s32 $0x1, s24;
	[sflag:s23] =	ssyncadd.s32 $0xFFFFC000  }
0x56: {  	[hbm4b:s12+s4] =	stream.linear.scatter [tilespmem:s19], [sflag:$0x4], $0x4000, $0x38;
	[tilespmem:$0x8080] =	vst v63  }
0x57: {  	p0 =	sne.s32 s24, s13;
	_ =	swait.ge [sflag:s22], $0x4000  }
.Ltmp1:
0x58: {  	[sflag:s22] =	ssyncset.done $0x0;
	(pc) =	sbr.rel @p0 .LBB2_1-.Ltmp1, $4  }
0x59: {  	[sflag:s22] =	ssyncadd.s32 $0xFFFFC000  }
0x5a: {  	_ =	swait.ge [sflag:s23], $0x4000  }
0x5b: {  	[sflag:s23] =	ssyncset.done $0x0  }
0x5c: {  	[sflag:s23] =	ssyncadd.s32 $0xFFFFC000  }
0x5d: {  	_ =	sfence.sel $0x180000  }
0x5e: {  	[bflag:$0x0] =	sbarrier.arrive $0xFFFF  }
0x5f: {  	p0 =	sne.s32 s0, $0x0;
	_ =	strace $0x90000047  }
0x60: {  	s0 =	sadd.s32 @!p0 $0x100000, s1;
	[bflag:$0x2] =	sbarrier.arrive $0xFFFF  }
0x61: {  	[sflag:s0] =	ssyncadd.tile.s32 @!p0 $0x1;
	_ =	shalt  }
.Lfunc_end2:
_tile_overlayer_lowered:
.L_overlay_start_2:
0x62: {  	(tag) =	ssettag $0x2  }
0x63: {  	s0 =	rddreg [dreg:$0x0];
	s2 =	stileid.u32  }
0x64: {  	s1 =	rddreg [dreg:$0x1];
	p0 =	sne.s32 s2, $0x0  }
0x65: {  	s3 =	rddreg [dreg:$0x2];
	[bflag:$0x3] =	sbarrier.arrive $0xFFFF;
	s2 =	simm.s32 @!p0 $0x1C05  }
0x66: {  	[timem:s3], [sflag:s2] =	dma.local @!p0 [hbm:s0], s1  }
0x67: {  	s0 =	simm.s32 @!p0 $0x5  }
0x68: {  	_ =	swait.ge @!p0 [sflag:s0], s1  }
0x69: {  	s1 =	ssub.s32 @!p0 $0x0, s1;
	[sflag:s0] =	ssyncset.done @!p0 $0x0  }
0x6a: {  	[sflag:s0] =	ssyncadd.s32 @!p0 s1  }
0x6b: {  	[bflag:$0x3] =	sbarrier.arrive $0xFFFF  }
0x6c: {  	_ =	shalt  }

</sc_bundles>
